<compile_context>
chip_gen: v7x
topology: tpu7x:2x2x1
jax: 0.10.2.dev20260603
libtpu: 0.0.44.dev20260713+nightly
codegen_flags: <defaults>
</compile_context>

<pallas_src>
import functools

import jax
import jax.numpy as jnp
from jax import lax
from jax.experimental import pallas as pl
from jax.experimental.pallas import tpu as pltpu
from jax.experimental.pallas import tpu_sc as plsc

B = 16384
F = 208
NF = 26
E = 16
FE = F * E
BBC = 1024
ROWS_PER_WORKER = 8
N_GATHER_WORKERS = F // ROWS_PER_WORKER


def _sc_gather_body(v_hbm, fi_hbm, emb_hbm, idx_v, rows_v, sem):
    wid = lax.axis_index("s") * 2 + lax.axis_index("c")

    @pl.when(wid < N_GATHER_WORKERS)
    def _():
        base = wid * ROWS_PER_WORKER
        pltpu.sync_copy(fi_hbm.at[pl.ds(base, ROWS_PER_WORKER)], idx_v)
        pltpu.async_copy(v_hbm.at[idx_v], rows_v, sem).wait()
        pltpu.sync_copy(rows_v, emb_hbm.at[pl.ds(base, ROWS_PER_WORKER)])


def _main_body(emb_ref, w_ref, xt_ref, out_ref, fm_ref, mt_ref, wq_ref):
    i = pl.program_id(0)

    @pl.when(i == 0)
    def _():
        emb_t = emb_ref[:, 0:E].T

        vbig = pltpu.repeat(emb_t, F, axis=0)
        c_idx = lax.broadcasted_iota(jnp.int32, (FE, F), 0) // E
        f_idx = lax.broadcasted_iota(jnp.int32, (FE, F), 1)
        mt_ref[...] = jnp.where(c_idx == f_idx, vbig, 0.0).astype(jnp.bfloat16)

        s = jnp.sum(emb_t, axis=0, keepdims=True)
        q = jnp.sum(emb_t * emb_t, axis=0, keepdims=True)
        wq_ref[...] = jnp.concatenate(
            [w_ref[...] * (1.0 / F), s * (1.0 / FE), q * (1.0 / FE)], axis=0
        )

    xt = xt_ref[...]
    out_ref[...] = jnp.dot(
        mt_ref[...], xt.astype(jnp.bfloat16), preferred_element_type=jnp.float32
    )
    a = jnp.dot(wq_ref[0:2, :], xt, preferred_element_type=jnp.float32)
    t2 = jnp.dot(wq_ref[2:3, :], xt * xt, preferred_element_type=jnp.float32)
    lin = a[0:1, :]
    t1 = a[1:2, :]
    fm_ref[:, pl.ds(i * BBC, BBC)] = jnp.concatenate(
        [lin, 0.5 * (t1 * t1 - t2)], axis=0
    )


@functools.partial(jax.jit, static_argnames=())
def kernel(inputs, w, V, field_index):
    w_row = w.reshape(1, F)
    xt = inputs.T

    v_pad = jnp.pad(V, ((0, 0), (0, 128 - E)))
    emb = pl.kernel(
        _sc_gather_body,
        out_type=jax.ShapeDtypeStruct((F, 128), jnp.float32),
        mesh=plsc.VectorSubcoreMesh(core_axis_name="c", subcore_axis_name="s"),
        scratch_types=[
            pltpu.VMEM((ROWS_PER_WORKER,), jnp.int32),
            pltpu.VMEM((ROWS_PER_WORKER, 128), jnp.float32),
            pltpu.SemaphoreType.DMA,
        ],
    )(v_pad, field_index.astype(jnp.int32))

    grid = (B // BBC,)
    out_t, fm_t = pl.pallas_call(
        _main_body,
        grid=grid,
        in_specs=[
            pl.BlockSpec((F, 128), lambda i: (0, 0)),
            pl.BlockSpec((1, F), lambda i: (0, 0)),
            pl.BlockSpec((F, BBC), lambda i: (0, i)),
        ],
        out_specs=(
            pl.BlockSpec((FE, BBC), lambda i: (0, i)),
            pl.BlockSpec((2, B), lambda i: (0, 0)),
        ),
        out_shape=(
            jax.ShapeDtypeStruct((FE, B), jnp.float32),
            jax.ShapeDtypeStruct((2, B), jnp.float32),
        ),
        scratch_shapes=[
            pltpu.VMEM((FE, F), jnp.bfloat16),
            pltpu.VMEM((3, F), jnp.float32),
        ],
        compiler_params=pltpu.CompilerParams(
            dimension_semantics=("arbitrary",),
        ),
    )(emb, w_row, xt)

    pre = out_t.reshape(F, E, B).transpose(2, 0, 1)
    return fm_t.T, pre

# --- scband reference (transcript-rebuilt; emitter-appended) ---
"""Pipeline reference for scband-factorization-machine-layer-3968549781774 (READ-ONLY COPY).

The authoritative reference and input builder live on the scoring server;
editing this copy changes nothing except your own understanding.
"""

import jax, jax.numpy as jnp
import numpy as np

B = 16384
NUMBER_FEATURE = 208
NUMBER_FIELD = 26
EMBEDDING_SIZE = 16


def setup_inputs(seed: int = 0) -> dict:
    key = jax.random.key(seed)
    k1, k2, k3 = jax.random.split(key, 3)
    inputs = jax.random.normal(k1, (B, NUMBER_FEATURE), dtype=jnp.float32)
    w = jax.random.normal(k2, (NUMBER_FEATURE,), dtype=jnp.float32)
    V = jax.random.normal(k3, (NUMBER_FIELD, EMBEDDING_SIZE), dtype=jnp.float32) * 0.01
    field_index = jnp.arange(NUMBER_FEATURE, dtype=jnp.int32) % NUMBER_FIELD
    return {"inputs": inputs, "w": w, "V": V, "field_index": field_index}


def reference(inputs, w, V, field_index):
    inputs_batch = jnp.reshape(inputs, (-1, NUMBER_FEATURE, 1))
    embedding = jnp.take(V, field_index, axis=0)  # gather: [number_feature, embedding_size]
    preprocessed_inputs = inputs_batch * embedding
    linear_terms = jnp.mean(w * inputs, axis=1, keepdims=True)
    interactions = 0.5 * (
        jnp.square(jnp.mean(preprocessed_inputs, axis=(1, 2)))
        - jnp.mean(jnp.square(preprocessed_inputs), axis=(1, 2))
    )
    interactions = jnp.reshape(interactions, (-1, 1))
    fm_out = jnp.concatenate([linear_terms, interactions], axis=1)
    return (fm_out, preprocessed_inputs)

if __name__ == "__main__":
    import jax
    _d = setup_inputs()
    print(jax.jit(kernel)(*tuple(_d.values())))

</pallas_src>

<mosaic_0001>
#map = affine_map<(d0, d1) -> (0, 0)>
#map1 = affine_map<(d0, d1) -> (0)>
module attributes {stable_mosaic.version = 14 : i64} {
  func.func @_sc_gather_body(%arg0: i32, %arg1: i32, %arg2: memref<26x128xf32, #tpu.memory_space<hbm>>, %arg3: memref<208xi32, #tpu.memory_space<hbm>>, %arg4: memref<208x128xf32, #tpu.memory_space<hbm>>, %arg5: memref<8xi32, #tpu.memory_space<vmem>>, %arg6: memref<8x128xf32, #tpu.memory_space<vmem>>, %arg7: memref<!tpu.dma_semaphore, #tpu.memory_space<semaphore_mem>>) attributes {dimension_semantics = [#tpu.dimension_semantics<core_parallel>, #tpu.dimension_semantics<subcore_parallel>], iteration_bounds = array<i64: 2, 16>, scalar_prefetch = 0 : i64, scratch_operands = 3 : i64, tpu.core_type = #tpu.core_type<sc_vector_subcore>, window_params = [{transform_indices = #map}, {transform_indices = #map1}, {transform_indices = #map}]} {
    %mul3A = arith.constant 2 : i32
    %mul3A_0 = arith.muli %arg1, %mul3A : i32
    %add3A = arith.addi %mul3A_0, %arg0 : i32
    %lt3A = arith.constant 26 : i32
    %lt3A_1 = arith.cmpi slt, %add3A, %lt3A : i32
    %convert_element_type3A = arith.extui %lt3A_1 : i1 to i32
    %cond3A = arith.constant 0 : i32
    %cond3A_2 = arith.cmpi ne, %convert_element_type3A, %cond3A : i32
    scf.if %cond3A_2 {
      %mul3A_3 = arith.constant 8 : i32
      %mul3A_4 = arith.muli %add3A, %mul3A_3 : i32
      "tpu.region"() ({
        %run_scoped3A = tpu.sem_alloc : memref<!tpu.dma_semaphore, #tpu.memory_space<semaphore_mem>>
        %dma_start3A_9 = tpu.memref_slice %arg3[%mul3A_4] : memref<208xi32, #tpu.memory_space<hbm>> -> memref<8xi32, #tpu.memory_space<hbm>>
        %dma_start3A_10 = tpu.memref_slice %arg3[%mul3A_4] : memref<208xi32, #tpu.memory_space<hbm>> -> memref<8xi32, #tpu.memory_space<hbm>>
        tpu.enqueue_dma source(%dma_start3A_10 : memref<8xi32, #tpu.memory_space<hbm>>) target(%arg5 : memref<8xi32, #tpu.memory_space<vmem>>) target_semaphore(%run_scoped3A : memref<!tpu.dma_semaphore, #tpu.memory_space<semaphore_mem>>)
        %dma_wait3A_11 = tpu.memref_slice %arg3[%mul3A_4] : memref<208xi32, #tpu.memory_space<hbm>> -> memref<8xi32, #tpu.memory_space<hbm>>
        %dma_wait3A_12 = tpu.memref_slice %arg3[%mul3A_4] : memref<208xi32, #tpu.memory_space<hbm>> -> memref<8xi32, #tpu.memory_space<hbm>>
        tpu.wait_dma2 semaphore(%run_scoped3A : memref<!tpu.dma_semaphore, #tpu.memory_space<semaphore_mem>>) src(%dma_wait3A_12 : memref<8xi32, #tpu.memory_space<hbm>>) dst(%arg5 : memref<8xi32, #tpu.memory_space<vmem>>)
        tpu.yield
      }) : () -> ()
      %dma_start3A = arith.constant 0 : i32
      %dma_start3A_5 = arith.constant 0 : i32
      %dma_start3A_6 = tpu.memref_slice %arg2[%dma_start3A, %dma_start3A_5] : memref<26x128xf32, #tpu.memory_space<hbm>> -> memref<26x128xf32, #tpu.memory_space<hbm>>
      tpu.enqueue_indirect_dma source(%dma_start3A_6 : memref<26x128xf32, #tpu.memory_space<hbm>>) target(%arg6 : memref<8x128xf32, #tpu.memory_space<vmem>>) offsets(%arg5 : memref<8xi32, #tpu.memory_space<vmem>>) semaphore(%arg7 : memref<!tpu.dma_semaphore, #tpu.memory_space<semaphore_mem>>)
      %dma_wait3A = arith.constant 0 : i32
      %dma_wait3A_7 = arith.constant 0 : i32
      %dma_wait3A_8 = tpu.memref_slice %arg2[%dma_wait3A, %dma_wait3A_7] : memref<26x128xf32, #tpu.memory_space<hbm>> -> memref<26x128xf32, #tpu.memory_space<hbm>>
      tpu.wait_indirect_dma semaphore(%arg7 : memref<!tpu.dma_semaphore, #tpu.memory_space<semaphore_mem>>) src(%dma_wait3A_8 : memref<26x128xf32, #tpu.memory_space<hbm>>) dst(%arg6 : memref<8x128xf32, #tpu.memory_space<vmem>>)
      "tpu.region"() ({
        %run_scoped3A = tpu.sem_alloc : memref<!tpu.dma_semaphore, #tpu.memory_space<semaphore_mem>>
        %dma_start3A_9 = arith.constant 0 : i32
        %dma_start3A_10 = tpu.memref_slice %arg4[%mul3A_4, %dma_start3A_9] : memref<208x128xf32, #tpu.memory_space<hbm>> -> memref<8x128xf32, #tpu.memory_space<hbm>>
        %dma_start3A_11 = arith.constant 0 : i32
        %dma_start3A_12 = tpu.memref_slice %arg4[%mul3A_4, %dma_start3A_11] : memref<208x128xf32, #tpu.memory_space<hbm>> -> memref<8x128xf32, #tpu.memory_space<hbm>>
        tpu.enqueue_dma source(%arg6 : memref<8x128xf32, #tpu.memory_space<vmem>>) target(%dma_start3A_12 : memref<8x128xf32, #tpu.memory_space<hbm>>) target_semaphore(%run_scoped3A : memref<!tpu.dma_semaphore, #tpu.memory_space<semaphore_mem>>)
        %dma_wait3A_13 = arith.constant 0 : i32
        %dma_wait3A_14 = tpu.memref_slice %arg4[%mul3A_4, %dma_wait3A_13] : memref<208x128xf32, #tpu.memory_space<hbm>> -> memref<8x128xf32, #tpu.memory_space<hbm>>
        %dma_wait3A_15 = arith.constant 0 : i32
        %dma_wait3A_16 = tpu.memref_slice %arg4[%mul3A_4, %dma_wait3A_15] : memref<208x128xf32, #tpu.memory_space<hbm>> -> memref<8x128xf32, #tpu.memory_space<hbm>>
        tpu.wait_dma2 semaphore(%run_scoped3A : memref<!tpu.dma_semaphore, #tpu.memory_space<semaphore_mem>>) src(%arg6 : memref<8x128xf32, #tpu.memory_space<vmem>>) dst(%dma_wait3A_16 : memref<8x128xf32, #tpu.memory_space<hbm>>)
        tpu.yield
      }) : () -> ()
    } else {
    }
    return
  }
}

module attributes {stable_mosaic.version = 14 : i64} {
  func.func @_main_body(%arg0: i32, %arg1: memref<208x128xf32, #tpu.memory_space<vmem>>, %arg2: memref<1x208xf32, #tpu.memory_space<vmem>>, %arg3: memref<208x1024xf32, #tpu.memory_space<vmem>>, %arg4: memref<3328x1024xf32, #tpu.memory_space<vmem>>, %arg5: memref<2x16384xf32, #tpu.memory_space<vmem>>, %arg6: memref<3328x208xbf16, #tpu.memory_space<vmem>>, %arg7: memref<3x208xf32, #tpu.memory_space<vmem>>) attributes {dimension_semantics = [#tpu.dimension_semantics<arbitrary>], iteration_bounds = array<i64: 16>, scalar_prefetch = 0 : i64, scratch_operands = 2 : i64, tpu.core_type = #tpu.core_type<tc>, window_params = [{pipeline_mode = #tpu.pipeline_mode<synchronous>, transform_indices = @transform_0, window_bounds = array<i64: 208, 128>}, {pipeline_mode = #tpu.pipeline_mode<synchronous>, transform_indices = @transform_1, window_bounds = array<i64: 1, 208>}, {transform_indices = @transform_2, window_bounds = array<i64: 208, 1024>}, {transform_indices = @transform_3, window_bounds = array<i64: 3328, 1024>}, {pipeline_mode = #tpu.pipeline_mode<synchronous>, transform_indices = @transform_4, window_bounds = array<i64: 2, 16384>}]} {
    %eq3A = arith.constant 0 : i32
    %eq3A_0 = arith.cmpi eq, %arg0, %eq3A : i32
    %convert_element_type3A = arith.extui %eq3A_0 : i1 to i32
    %cond3A = arith.constant 0 : i32
    %cond3A_1 = arith.cmpi ne, %convert_element_type3A, %cond3A : i32
    scf.if %cond3A_1 {
      %get3A_31 = arith.constant 0 : index
      %get3A_32 = arith.constant 0 : index
      %get3A_33 = vector.load %arg1[%get3A_31, %get3A_32] : memref<208x128xf32, #tpu.memory_space<vmem>>, vector<208x16xf32>
      %transpose3A = tpu.transpose %get3A_33, [1, 0] : vector<208x16xf32> -> vector<16x208xf32>
      %tile3A = tpu.concatenate %transpose3A, %transpose3A, %transpose3A, %transpose3A, %transpose3A, %transpose3A, %transpose3A, %transpose3A, %transpose3A, %transpose3A, %transpose3A, %transpose3A, %transpose3A, %transpose3A, %transpose3A, %transpose3A, %transpose3A, %transpose3A, %transpose3A, %transpose3A, %transpose3A, %transpose3A, %transpose3A, %transpose3A, %transpose3A, %transpose3A, %transpose3A, %transpose3A, %transpose3A, %transpose3A, %transpose3A, %transpose3A, %transpose3A, %transpose3A, %transpose3A, %transpose3A, %transpose3A, %transpose3A, %transpose3A, %transpose3A, %transpose3A, %transpose3A, %transpose3A, %transpose3A, %transpose3A, %transpose3A, %transpose3A, %transpose3A, %transpose3A, %transpose3A, %transpose3A, %transpose3A, %transpose3A, %transpose3A, %transpose3A, %transpose3A, %transpose3A, %transpose3A, %transpose3A, %transpose3A, %transpose3A, %transpose3A, %transpose3A, %transpose3A, %transpose3A, %transpose3A, %transpose3A, %transpose3A, %transpose3A, %transpose3A, %transpose3A, %transpose3A, %transpose3A, %transpose3A, %transpose3A, %transpose3A, %transpose3A, %transpose3A, %transpose3A, %transpose3A, %transpose3A, %transpose3A, %transpose3A, %transpose3A, %transpose3A, %transpose3A, %transpose3A, %transpose3A, %transpose3A, %transpose3A, %transpose3A, %transpose3A, %transpose3A, %transpose3A, %transpose3A, %transpose3A, %transpose3A, %transpose3A, %transpose3A, %transpose3A, %transpose3A, %transpose3A, %transpose3A, %transpose3A, %transpose3A, %transpose3A, %transpose3A, %transpose3A, %transpose3A, %transpose3A, %transpose3A, %transpose3A, %transpose3A, %transpose3A, %transpose3A, %transpose3A, %transpose3A, %transpose3A, %transpose3A, %transpose3A, %transpose3A, %transpose3A, %transpose3A, %transpose3A, %transpose3A, %transpose3A, %transpose3A, %transpose3A, %transpose3A, %transpose3A, %transpose3A, %transpose3A, %transpose3A, %transpose3A, %transpose3A, %transpose3A, %transpose3A, %transpose3A, %transpose3A, %transpose3A, %transpose3A, %transpose3A, %transpose3A, %transpose3A, %transpose3A, %transpose3A, %transpose3A, %transpose3A, %transpose3A, %transpose3A, %transpose3A, %transpose3A, %transpose3A, %transpose3A, %transpose3A, %transpose3A, %transpose3A, %transpose3A, %transpose3A, %transpose3A, %transpose3A, %transpose3A, %transpose3A, %transpose3A, %transpose3A, %transpose3A, %transpose3A, %transpose3A, %transpose3A, %transpose3A, %transpose3A, %transpose3A, %transpose3A, %transpose3A, %transpose3A, %transpose3A, %transpose3A, %transpose3A, %transpose3A, %transpose3A, %transpose3A, %transpose3A, %transpose3A, %transpose3A, %transpose3A, %transpose3A, %transpose3A, %transpose3A, %transpose3A, %transpose3A, %transpose3A, %transpose3A, %transpose3A, %transpose3A, %transpose3A, %transpose3A, %transpose3A, %transpose3A, %transpose3A, %transpose3A, %transpose3A, %transpose3A, %transpose3A, %transpose3A, %transpose3A, %transpose3A, %transpose3A, %transpose3A in 0 : vector<16x208xf32>, vector<16x208xf32>, vector<16x208xf32>, vector<16x208xf32>, vector<16x208xf32>, vector<16x208xf32>, vector<16x208xf32>, vector<16x208xf32>, vector<16x208xf32>, vector<16x208xf32>, vector<16x208xf32>, vector<16x208xf32>, vector<16x208xf32>, vector<16x208xf32>, vector<16x208xf32>, vector<16x208xf32>, vector<16x208xf32>, vector<16x208xf32>, vector<16x208xf32>, vector<16x208xf32>, vector<16x208xf32>, vector<16x208xf32>, vector<16x208xf32>, vector<16x208xf32>, vector<16x208xf32>, vector<16x208xf32>, vector<16x208xf32>, vector<16x208xf32>, vector<16x208xf32>, vector<16x208xf32>, vector<16x208xf32>, vector<16x208xf32>, vector<16x208xf32>, vector<16x208xf32>, vector<16x208xf32>, vector<16x208xf32>, vector<16x208xf32>, vector<16x208xf32>, vector<16x208xf32>, vector<16x208xf32>, vector<16x208xf32>, vector<16x208xf32>, vector<16x208xf32>, vector<16x208xf32>, vector<16x208xf32>, vector<16x208xf32>, vector<16x208xf32>, vector<16x208xf32>, vector<16x208xf32>, vector<16x208xf32>, vector<16x208xf32>, vector<16x208xf32>, vector<16x208xf32>, vector<16x208xf32>, vector<16x208xf32>, vector<16x208xf32>, vector<16x208xf32>, vector<16x208xf32>, vector<16x208xf32>, vector<16x208xf32>, vector<16x208xf32>, vector<16x208xf32>, vector<16x208xf32>, vector<16x208xf32>, vector<16x208xf32>, vector<16x208xf32>, vector<16x208xf32>, vector<16x208xf32>, vector<16x208xf32>, vector<16x208xf32>, vector<16x208xf32>, vector<16x208xf32>, vector<16x208xf32>, vector<16x208xf32>, vector<16x208xf32>, vector<16x208xf32>, vector<16x208xf32>, vector<16x208xf32>, vector<16x208xf32>, vector<16x208xf32>, vector<16x208xf32>, vector<16x208xf32>, vector<16x208xf32>, vector<16x208xf32>, vector<16x208xf32>, vector<16x208xf32>, vector<16x208xf32>, vector<16x208xf32>, vector<16x208xf32>, vector<16x208xf32>, vector<16x208xf32>, vector<16x208xf32>, vector<16x208xf32>, vector<16x208xf32>, vector<16x208xf32>, vector<16x208xf32>, vector<16x208xf32>, vector<16x208xf32>, vector<16x208xf32>, vector<16x208xf32>, vector<16x208xf32>, vector<16x208xf32>, vector<16x208xf32>, vector<16x208xf32>, vector<16x208xf32>, vector<16x208xf32>, vector<16x208xf32>, vector<16x208xf32>, vector<16x208xf32>, vector<16x208xf32>, vector<16x208xf32>, vector<16x208xf32>, vector<16x208xf32>, vector<16x208xf32>, vector<16x208xf32>, vector<16x208xf32>, vector<16x208xf32>, vector<16x208xf32>, vector<16x208xf32>, vector<16x208xf32>, vector<16x208xf32>, vector<16x208xf32>, vector<16x208xf32>, vector<16x208xf32>, vector<16x208xf32>, vector<16x208xf32>, vector<16x208xf32>, vector<16x208xf32>, vector<16x208xf32>, vector<16x208xf32>, vector<16x208xf32>, vector<16x208xf32>, vector<16x208xf32>, vector<16x208xf32>, vector<16x208xf32>, vector<16x208xf32>, vector<16x208xf32>, vector<16x208xf32>, vector<16x208xf32>, vector<16x208xf32>, vector<16x208xf32>, vector<16x208xf32>, vector<16x208xf32>, vector<16x208xf32>, vector<16x208xf32>, vector<16x208xf32>, vector<16x208xf32>, vector<16x208xf32>, vector<16x208xf32>, vector<16x208xf32>, vector<16x208xf32>, vector<16x208xf32>, vector<16x208xf32>, vector<16x208xf32>, vector<16x208xf32>, vector<16x208xf32>, vector<16x208xf32>, vector<16x208xf32>, vector<16x208xf32>, vector<16x208xf32>, vector<16x208xf32>, vector<16x208xf32>, vector<16x208xf32>, vector<16x208xf32>, vector<16x208xf32>, vector<16x208xf32>, vector<16x208xf32>, vector<16x208xf32>, vector<16x208xf32>, vector<16x208xf32>, vector<16x208xf32>, vector<16x208xf32>, vector<16x208xf32>, vector<16x208xf32>, vector<16x208xf32>, vector<16x208xf32>, vector<16x208xf32>, vector<16x208xf32>, vector<16x208xf32>, vector<16x208xf32>, vector<16x208xf32>, vector<16x208xf32>, vector<16x208xf32>, vector<16x208xf32>, vector<16x208xf32>, vector<16x208xf32>, vector<16x208xf32>, vector<16x208xf32>, vector<16x208xf32>, vector<16x208xf32>, vector<16x208xf32>, vector<16x208xf32>, vector<16x208xf32>, vector<16x208xf32>, vector<16x208xf32>, vector<16x208xf32>, vector<16x208xf32>, vector<16x208xf32>, vector<16x208xf32>, vector<16x208xf32>, vector<16x208xf32>, vector<16x208xf32>, vector<16x208xf32>, vector<16x208xf32>, vector<16x208xf32>, vector<16x208xf32>, vector<16x208xf32>, vector<16x208xf32> -> vector<3328x208xf32>
      %iota3A = tpu.iota {dimensions = array<i32: 0>} : vector<3328x208xi32>
      %jit3A = arith.constant 16 : i32
      %div3A = vector.broadcast %jit3A : i32 to vector<3328x208xi32>
      %div3A_34 = arith.divsi %iota3A, %div3A : vector<3328x208xi32>
      %sign3A = arith.constant 0 : i32
      %sign3A_35 = vector.broadcast %sign3A : i32 to vector<3328x208xi32>
      %sign3A_36 = arith.cmpi sgt, %iota3A, %sign3A_35 : vector<3328x208xi32>
      %sign3A_37 = arith.extui %sign3A_36 : vector<3328x208xi1> to vector<3328x208xi32>
      %sign3A_38 = arith.constant 0 : i32
      %sign3A_39 = vector.broadcast %sign3A_38 : i32 to vector<3328x208xi32>
      %sign3A_40 = arith.cmpi slt, %iota3A, %sign3A_39 : vector<3328x208xi32>
      %sign3A_41 = arith.extui %sign3A_40 : vector<3328x208xi1> to vector<3328x208xi32>
      %sign3A_42 = arith.subi %sign3A_37, %sign3A_41 : vector<3328x208xi32>
      %sign3A_43 = arith.constant 0 : i32
      %sign3A_44 = arith.cmpi sgt, %jit3A, %sign3A_43 : i32
      %sign3A_45 = arith.extui %sign3A_44 : i1 to i32
      %sign3A_46 = arith.constant 0 : i32
      %sign3A_47 = arith.cmpi slt, %jit3A, %sign3A_46 : i32
      %sign3A_48 = arith.extui %sign3A_47 : i1 to i32
      %sign3A_49 = arith.subi %sign3A_45, %sign3A_48 : i32
      %ne3A = vector.broadcast %sign3A_49 : i32 to vector<3328x208xi32>
      %ne3A_50 = arith.cmpi ne, %sign3A_42, %ne3A : vector<3328x208xi32>
      %rem3A = vector.broadcast %jit3A : i32 to vector<3328x208xi32>
      %rem3A_51 = arith.remsi %iota3A, %rem3A : vector<3328x208xi32>
      %ne3A_52 = arith.constant 0 : i32
      %ne3A_53 = vector.broadcast %ne3A_52 : i32 to vector<3328x208xi32>
      %ne3A_54 = arith.cmpi ne, %rem3A_51, %ne3A_53 : vector<3328x208xi32>
      %and3A = arith.andi %ne3A_50, %ne3A_54 : vector<3328x208xi1>
      %sub3A_55 = arith.constant 1 : i32
      %sub3A_56 = vector.broadcast %sub3A_55 : i32 to vector<3328x208xi32>
      %sub3A_57 = arith.subi %div3A_34, %sub3A_56 : vector<3328x208xi32>
      %select_n3A = arith.select %and3A, %sub3A_57, %div3A_34 : vector<3328x208xi1>, vector<3328x208xi32>
      %iota3A_58 = tpu.iota {dimensions = array<i32: 1>} : vector<3328x208xi32>
      %eq3A_59 = arith.cmpi eq, %select_n3A, %iota3A_58 : vector<3328x208xi32>
      %jit3A_60 = arith.constant 0.000000e+00 : f32
      %broadcast_in_dim3A = vector.broadcast %jit3A_60 : f32 to vector<3328x208xf32>
      %select_n3A_61 = arith.select %eq3A_59, %tile3A, %broadcast_in_dim3A : vector<3328x208xi1>, vector<3328x208xf32>
      %convert_element_type3A_62 = arith.truncf %select_n3A_61 : vector<3328x208xf32> to vector<3328x208xbf16>
      %swap3A_63 = arith.constant 0 : index
      %swap3A_64 = arith.constant 0 : index
      %swap3A_65 = vector.load %arg6[%swap3A_63, %swap3A_64] : memref<3328x208xbf16, #tpu.memory_space<vmem>>, vector<3328x208xbf16>
      tpu.vector_store %arg6[%swap3A_63, %swap3A_64], %convert_element_type3A_62 {strides = array<i32>} : memref<3328x208xbf16, #tpu.memory_space<vmem>>, vector<3328x208xbf16>,
      %reduce_sum3A = arith.constant dense<0.000000e+00> : vector<208xf32>
      %reduce_sum3A_66 = vector.multi_reduction <add>, %transpose3A, %reduce_sum3A [0] : vector<16x208xf32> to vector<208xf32>
      %broadcast_in_dim3A_67 = vector.shape_cast %reduce_sum3A_66 : vector<208xf32> to vector<1x208xf32>
      %mul3A_68 = arith.mulf %transpose3A, %transpose3A : vector<16x208xf32>
      %reduce_sum3A_69 = arith.constant dense<0.000000e+00> : vector<208xf32>
      %reduce_sum3A_70 = vector.multi_reduction <add>, %mul3A_68, %reduce_sum3A_69 [0] : vector<16x208xf32> to vector<208xf32>
      %broadcast_in_dim3A_71 = vector.shape_cast %reduce_sum3A_70 : vector<208xf32> to vector<1x208xf32>
      %get3A_72 = arith.constant 0 : index
      %get3A_73 = arith.constant 0 : index
      %get3A_74 = vector.load %arg2[%get3A_72, %get3A_73] : memref<1x208xf32, #tpu.memory_space<vmem>>, vector<1x208xf32>
      %mul3A_75 = arith.constant 0.00480769249 : f32
      %mul3A_76 = vector.broadcast %mul3A_75 : f32 to vector<1x208xf32>
      %mul3A_77 = arith.mulf %get3A_74, %mul3A_76 : vector<1x208xf32>
      %mul3A_78 = arith.constant 3.0048078E-4 : f32
      %mul3A_79 = vector.broadcast %mul3A_78 : f32 to vector<1x208xf32>
      %mul3A_80 = arith.mulf %broadcast_in_dim3A_67, %mul3A_79 : vector<1x208xf32>
      %mul3A_81 = arith.constant 3.0048078E-4 : f32
      %mul3A_82 = vector.broadcast %mul3A_81 : f32 to vector<1x208xf32>
      %mul3A_83 = arith.mulf %broadcast_in_dim3A_71, %mul3A_82 : vector<1x208xf32>
      %concatenate3A_84 = tpu.concatenate %mul3A_77, %mul3A_80, %mul3A_83 in 0 : vector<1x208xf32>, vector<1x208xf32>, vector<1x208xf32> -> vector<3x208xf32>
      %swap3A_85 = arith.constant 0 : index
      %swap3A_86 = arith.constant 0 : index
      %swap3A_87 = vector.load %arg7[%swap3A_85, %swap3A_86] : memref<3x208xf32, #tpu.memory_space<vmem>>, vector<3x208xf32>
      tpu.vector_store %arg7[%swap3A_85, %swap3A_86], %concatenate3A_84 {strides = array<i32>} : memref<3x208xf32, #tpu.memory_space<vmem>>, vector<3x208xf32>,
    } else {
    }
    %get3A = arith.constant 0 : index
    %get3A_2 = arith.constant 0 : index
    %get3A_3 = vector.load %arg3[%get3A, %get3A_2] : memref<208x1024xf32, #tpu.memory_space<vmem>>, vector<208x1024xf32>
    %get3A_4 = arith.constant 0 : index
    %get3A_5 = arith.constant 0 : index
    %get3A_6 = vector.load %arg6[%get3A_4, %get3A_5] : memref<3328x208xbf16, #tpu.memory_space<vmem>>, vector<3328x208xbf16>
    %convert_element_type3A_7 = arith.truncf %get3A_3 : vector<208x1024xf32> to vector<208x1024xbf16>
    %dot_general3A = arith.constant dense<0.000000e+00> : vector<3328x1024xf32>
    %dot_general3A_8 = tpu.matmul %get3A_6, %convert_element_type3A_7, %dot_general3A {dimension_numbers = #tpu.dot_dimension_numbers<[1], [0], [0], [1], [0, 0, 1, 1], [], []>, transpose_lhs_hint = false} : vector<3328x208xbf16>, vector<208x1024xbf16>, vector<3328x1024xf32> -> vector<3328x1024xf32>
    %swap3A = arith.constant 0 : index
    %swap3A_9 = arith.constant 0 : index
    %swap3A_10 = vector.load %arg4[%swap3A, %swap3A_9] : memref<3328x1024xf32, #tpu.memory_space<vmem>>, vector<3328x1024xf32>
    tpu.vector_store %arg4[%swap3A, %swap3A_9], %dot_general3A_8 {strides = array<i32>} : memref<3328x1024xf32, #tpu.memory_space<vmem>>, vector<3328x1024xf32>,
    %get3A_11 = arith.constant 0 : index
    %get3A_12 = arith.constant 0 : index
    %get3A_13 = vector.load %arg7[%get3A_11, %get3A_12] : memref<3x208xf32, #tpu.memory_space<vmem>>, vector<2x208xf32>
    %dot_general3A_14 = arith.constant dense<0.000000e+00> : vector<2x1024xf32>
    %dot_general3A_15 = tpu.matmul %get3A_13, %get3A_3, %dot_general3A_14 {dimension_numbers = #tpu.dot_dimension_numbers<[1], [0], [0], [1], [0, 0, 1, 1], [], []>, transpose_lhs_hint = false} : vector<2x208xf32>, vector<208x1024xf32>, vector<2x1024xf32> -> vector<2x1024xf32>
    %get3A_16 = arith.constant 2 : index
    %get3A_17 = arith.constant 0 : index
    %get3A_18 = vector.load %arg7[%get3A_16, %get3A_17] : memref<3x208xf32, #tpu.memory_space<vmem>>, vector<1x208xf32>
    %mul3A = arith.mulf %get3A_3, %get3A_3 : vector<208x1024xf32>
    %dot_general3A_19 = arith.constant dense<0.000000e+00> : vector<1x1024xf32>
    %dot_general3A_20 = tpu.matmul %get3A_18, %mul3A, %dot_general3A_19 {dimension_numbers = #tpu.dot_dimension_numbers<[1], [0], [0], [1], [0, 0, 1, 1], [], []>, transpose_lhs_hint = false} : vector<1x208xf32>, vector<208x1024xf32>, vector<1x1024xf32> -> vector<1x1024xf32>
    %slice3A = vector.extract_strided_slice %dot_general3A_15 {offsets = [0, 0], sizes = [1, 1024], strides = [1, 1]} : vector<2x1024xf32> to vector<1x1024xf32>
    %slice3A_21 = vector.extract_strided_slice %dot_general3A_15 {offsets = [1, 0], sizes = [1, 1024], strides = [1, 1]} : vector<2x1024xf32> to vector<1x1024xf32>
    %mul3A_22 = arith.mulf %slice3A_21, %slice3A_21 : vector<1x1024xf32>
    %sub3A = arith.subf %mul3A_22, %dot_general3A_20 : vector<1x1024xf32>
    %mul3A_23 = arith.constant 5.000000e-01 : f32
    %mul3A_24 = vector.broadcast %mul3A_23 : f32 to vector<1x1024xf32>
    %mul3A_25 = arith.mulf %mul3A_24, %sub3A : vector<1x1024xf32>
    %concatenate3A = tpu.concatenate %slice3A, %mul3A_25 in 0 : vector<1x1024xf32>, vector<1x1024xf32> -> vector<2x1024xf32>
    %mul3A_26 = arith.constant 1024 : i32
    %mul3A_27 = arith.muli %arg0, %mul3A_26 : i32
    %swap3A_28 = arith.constant 0 : index
    %swap3A_29 = arith.index_cast %mul3A_27 : i32 to index
    %swap3A_30 = vector.load %arg5[%swap3A_28, %swap3A_29] : memref<2x16384xf32, #tpu.memory_space<vmem>>, vector<2x1024xf32>
    tpu.vector_store %arg5[%swap3A_28, %swap3A_29], %concatenate3A {strides = array<i32>} : memref<2x16384xf32, #tpu.memory_space<vmem>>, vector<2x1024xf32>,
    return
  }
  func.func @transform_0(%arg0: i32) -> (i32, i32) {
    %c0_i32 = arith.constant 0 : i32
    %c0_i32_0 = arith.constant 0 : i32
    %c0_i32_1 = arith.constant 0 : i32
    return %c0_i32, %c0_i32_0 : i32, i32
  }
  func.func @transform_1(%arg0: i32) -> (i32, i32) {
    %c0_i32 = arith.constant 0 : i32
    %c0_i32_0 = arith.constant 0 : i32
    %c0_i32_1 = arith.constant 0 : i32
    return %c0_i32, %c0_i32_0 : i32, i32
  }
  func.func @transform_2(%arg0: i32) -> (i32, i32) {
    %c0_i32 = arith.constant 0 : i32
    %c0_i32_0 = arith.constant 0 : i32
    return %c0_i32, %arg0 : i32, i32
  }
  func.func @transform_3(%arg0: i32) -> (i32, i32) {
    %c0_i32 = arith.constant 0 : i32
    %c0_i32_0 = arith.constant 0 : i32
    return %c0_i32, %arg0 : i32, i32
  }
  func.func @transform_4(%arg0: i32) -> (i32, i32) {
    %c0_i32 = arith.constant 0 : i32
    %c0_i32_0 = arith.constant 0 : i32
    %c0_i32_1 = arith.constant 0 : i32
    return %c0_i32, %c0_i32_0 : i32, i32
  }
}

</mosaic_0001>

<sc_bundles>
// kernel: kernel.4.cloned.1.call-start
scs
__scs_entry_jumppad:
0x0: {  	(pc) =	sbr.rel $0x88, $3  }
0x1: {  	(tag) =	ssettag $0x0;
	lr =	simm.s32 $0x1  }
0x2: {  	[smem:$0x3F9D] =	sst lr;
	_ =	strace $0xD0000000  }
0x3: {  	_ = 	snop  }
0x4: {  	_ = 	snop  }
0x5: {  	_ = 	snop  }
0x6: {  	_ = 	snop  }
0x7: {  	_ = 	snop  }
__scs_overlays_trampoline_lowered:
0x8: {  	[smem:$0x3FAC] =	sst s0  }
0x9: {  	[smem:$0x3FAD] =	sst s1  }
0xa: {  	[smem:$0x3FAE] =	sst s2  }
0xb: {  	[smem:$0x3FAF] =	sst s3  }
0xc: {  	[smem:$0x3FB0] =	sst s4  }
0xd: {  	[smem:$0x3FB1] =	sst s5  }
0xe: {  	[smem:$0x3FB2] =	sst s6  }
0xf: {  	[smem:$0x3FB3] =	sst s7  }
0x10: {  	[smem:$0x3FB4] =	sst s8  }
0x11: {  	[smem:$0x3FB5] =	sst s9;
	s0 =	simm.s32 @!p0 $0x0  }
0x12: {  	s1 =	sld [smem:$0x3F9B];
	s0 =	simm.s32 @p0 $0x1  }
0x13: {  	[smem:$0x3FB6] =	sst s0;
	s0 =	simm.s32 @!p1 $0x0  }
0x14: {  	s2 =	sld [smem:$0x3F9A];
	s0 =	simm.s32 @p1 $0x1  }
0x15: {  	[smem:$0x3FB7] =	sst s0;
	s0 =	simm.s32 @!p2 $0x0  }
0x16: {  	s3 =	sld [smem:$0x3FDB];
	s0 =	simm.s32 @p2 $0x1  }
0x17: {  	s4 =	simm.s32 $0x1BF5;
	[smem:$0x3FB9] =	sst s0  }
0x18: {  	s0 =	sld [smem:$0x3F9C];
	_ =	swait.ge [sflag:s4], $0x0  }
0x19: {  	s7 =	sld [smem:$0x3F9D]  }
0x1a: {  	s8 =	sadd.s32 $0xFFFFE003, lr  }
0x1b: {  	s9 =	sadd.s32 $0xFFFFFEF7, lr;
	s5 =	simm.s32 $0xFFFFFFFF;
	p2 =	slt.u32 s8, $0xFFFFF086  }
0x1c: {  	p1 =	slt.u32 s9, $0xF7A;
	s5 =	simm.s32 @!p2 $0x0  }
0x1d: {  	s5 =	simm.s32 @p1 $0x1;
	p0 =	seq.s32 s7, s2  }
0x1e: {  	s7 =	smul.u32 @!p0 $0xF7A, s2;
	p2 =	seq.s32 @!p0 s5, $0x0  }
0x1f: {  	s9 =	smul.u32 $0xF7A, s1;
	s8 =	simm.s32 @!p0 $0x1BF5;
	p2 =	por !p2, p0  }
0x20: {  	[sflag:s8] =	ssyncset.s32 @!p0 $0xFFFFF086;
	s6 =	sadd.s32 @!p0 s3, s7;
	s7 =	simm.s32 @!p0 $0x108  }
0x21: {  	s3 =	sadd.s32 s3, s9;
	s6 =	sadd.s32 @!p0 $0x88, s6;
	s7 =	simm.s32 @p2 $0x1082  }
0x22: {  	[simem:s7], [sflag:s8] =	dma.local @!p0 [hbm:s6], $0xF7A  }
0x23: {  	s9 =	sor.u32 $0xD0000000, s2;
	s6 =	simm.s32 $0x108;
	_ =	swait.ge @!p0 [sflag:s8], $0x0  }
0x24: {  	s3 =	sadd.s32 $0x88, s3;
	s6 =	simm.s32 @!p1 $0x1082;
	[sflag:s4] =	ssyncset.s32 $0xFFFFF086  }
0x25: {  	[simem:s6], [sflag:s4] =	dma.local [hbm:s3], $0xF7A  }
0x26: {  	[smem:$0x3F9D] =	sst s1;
	(tag) =	ssettag s2;
	_ =	strace s9  }
0x27: {  	s1 =	sld [smem:$0x3FAD]  }
0x28: {  	s2 =	sld [smem:$0x3FAE]  }
0x29: {  	s4 =	sld [smem:$0x3FB0]  }
0x2a: {  	p0 =	seq.s32 s5, $0x0;
	s5 =	sld [smem:$0x3FB1]  }
0x2b: {  	s6 =	sld [smem:$0x3FB2]  }
0x2c: {  	s7 =	sld [smem:$0x3FB3]  }
0x2d: {  	s3 =	simm.s32 $0x108;
	s8 =	sld [smem:$0x3FB4]  }
0x2e: {  	s3 =	simm.s32 @!p0 $0x1082;
	s9 =	sld [smem:$0x3FB5]  }
0x2f: {  	lr =	sadd.s32 s0, s3;
	s0 =	sld [smem:$0x3FAC]  }
0x30: {  	s3 =	sld [smem:$0x3FAF]  }
0x31: {  	[smem:$0x3FB8] =	sst s10  }
0x32: {  	s10 =	sld [smem:$0x3FB6];
	_ =	sdelay $0x3  }
0x33: {  	p0 =	seq.s32 s10, $0x1;
	s10 =	sld [smem:$0x3FB8];
	_ =	sdelay $0x3  }
0x34: {  	[smem:$0x3FB8] =	sst s10  }
0x35: {  	s10 =	sld [smem:$0x3FB7];
	_ =	sdelay $0x3  }
0x36: {  	p1 =	seq.s32 s10, $0x1;
	s10 =	sld [smem:$0x3FB8];
	_ =	sdelay $0x3  }
0x37: {  	[smem:$0x3FB8] =	sst s10  }
0x38: {  	s10 =	sld [smem:$0x3FB9]  }
0x39: {  	_ = 	snop;
	(pc) =	sbr.ind lr, $3  }
0x3a: {  	_ = 	snop  }
0x3b: {  	_ = 	snop  }
0x3c: {  	p2 =	seq.s32 s10, $0x1;
	s10 =	sld [smem:$0x3FB8]  }
0x3d: {  	_ =	shalt  }
0x3e: {  	_ =	shalt  }
0x3f: {  	_ =	shalt  }
0x40: {  	_ =	shalt  }
0x41: {  	_ =	shalt  }
0x42: {  	_ =	shalt  }
0x43: {  	_ =	shalt  }
0x44: {  	_ =	shalt  }
0x45: {  	_ =	shalt  }
0x46: {  	_ =	shalt  }
0x47: {  	_ =	shalt  }
0x48: {  	_ =	shalt  }
0x49: {  	_ =	shalt  }
0x4a: {  	_ =	shalt  }
0x4b: {  	_ =	shalt  }
0x4c: {  	_ =	shalt  }
0x4d: {  	_ =	shalt  }
0x4e: {  	_ =	shalt  }
0x4f: {  	_ =	shalt  }
0x50: {  	_ =	shalt  }
0x51: {  	_ =	shalt  }
0x52: {  	_ =	shalt  }
0x53: {  	_ =	shalt  }
0x54: {  	_ =	shalt  }
0x55: {  	_ =	shalt  }
0x56: {  	_ =	shalt  }
0x57: {  	_ =	shalt  }
0x58: {  	_ =	shalt  }
0x59: {  	_ =	shalt  }
0x5a: {  	_ =	shalt  }
0x5b: {  	_ =	shalt  }
0x5c: {  	_ =	shalt  }
0x5d: {  	_ =	shalt  }
0x5e: {  	_ =	shalt  }
0x5f: {  	_ =	shalt  }
0x60: {  	_ =	shalt  }
0x61: {  	_ =	shalt  }
0x62: {  	_ =	shalt  }
0x63: {  	_ =	shalt  }
0x64: {  	_ =	shalt  }
0x65: {  	_ =	shalt  }
0x66: {  	_ =	shalt  }
0x67: {  	_ =	shalt  }
0x68: {  	_ =	shalt  }
0x69: {  	_ =	shalt  }
0x6a: {  	_ =	shalt  }
0x6b: {  	_ =	shalt  }
0x6c: {  	_ =	shalt  }
0x6d: {  	_ =	shalt  }
0x6e: {  	_ =	shalt  }
0x6f: {  	_ =	shalt  }
0x70: {  	_ =	shalt  }
0x71: {  	_ =	shalt  }
0x72: {  	_ =	shalt  }
0x73: {  	_ =	shalt  }
0x74: {  	_ =	shalt  }
0x75: {  	_ =	shalt  }
0x76: {  	_ =	shalt  }
0x77: {  	_ =	shalt  }
0x78: {  	_ =	shalt  }
0x79: {  	_ =	shalt  }
0x7a: {  	_ =	shalt  }
0x7b: {  	_ =	shalt  }
0x7c: {  	_ =	shalt  }
0x7d: {  	_ =	shalt  }
0x7e: {  	_ =	shalt  }
0x7f: {  	_ =	shalt  }
0x80: {  	_ =	shalt  }
0x81: {  	_ =	shalt  }
0x82: {  	_ =	shalt  }
0x83: {  	_ =	shalt  }
0x84: {  	_ =	shalt  }
0x85: {  	_ =	shalt  }
0x86: {  	_ =	shalt  }
0x87: {  	_ =	shalt  }
.Lfunc_end0:
.L_simem_size_0:
called_computation_lowered:
.L_overlay_start_0:
0x88: {  	s2 =	sld [smem:$0x3FD9]  }
0x89: {  	s3 =	sld [smem:$0x3FFE];
	_ =	sdelay $0x1  }
0x8a: {  	s1 =	srdreg.scid  }
0x8b: {  	s0 =	sand.u32 $0x1, s1  }
0x8c: {  	s15 =	sshll.u32 s0, $0xA;
	s2 =	sadd.s32 s3, s2  }
0x8d: {  	s2 =	sadd.s32 s2, s15  }
0x8e: {  	[smem:$0x3FC4] =	sst s2  }
0x8f: {  	_ = 	snop  }
0x90: {  	s2 =	sld [smem:$0x3FD0];
	_ =	sdelay $0x2  }
0x91: {  	s4 =	simm.s32 $0xA;
	s5 =	simm.s32 $0x10;
	s16 =	sld [smem:$0x3FC6]  }
0x92: {  	[smem:s5], [sflag:s4] =	dma.local [hbm:s2], $0x1  }
0x93: {  	_ =	swait.eq [sflag:s4], $0x1  }
0x94: {  	[sflag:s4] =	ssyncset.done $0x0  }
0x95: {  	s17 =	sld [smem:$0x10];
	[sflag:s4] =	ssyncadd.s32 $0xFFFFFFFF  }
0x96: {  	s18 =	sld [smem:$0x11];
	(tm) =	ssettm $0x1  }
0x97: {  	s19 =	sld [smem:$0x3FFB];
	_ =	sdelay $0x3  }
0x98: {  	_ =	strace s19  }
0x99: {  	s5 =	sld [smem:$0x3FFC];
	_ =	sdelay $0x3  }
0x9a: {  	_ =	strace s5  }
0x9b: {  	s5 =	sld [smem:$0x3FFD];
	_ =	sdelay $0x3  }
0x9c: {  	_ =	strace s5  }
0x9d: {  	_ =	strace $0x8FFFFFFF  }
0x9e: {  	s20 =	sld [smem:$0x3FDB];
	_ =	sdelay $0x1  }
0x9f: {  	s6 =	simm.s32 $_scs_section_size  }
0xa0: {  	s7 =	simm.s32 $_size__tile_overlayer_lowered;
	s8 =	simm.s32 $_tile_overlayer_lowered  }
0xa1: {  	s23 =	simm.s32 $0x1BFF;
	s22 =	sshll.u32 s8, $0x1;
	s5 =	sadd.s32 s6, s20  }
0xa2: {  	s9 =	simm.s32 $0x0;
	s21 =	sshll.u32 s7, $0x1;
	s7 =	sadd.s32 s22, s5  }
0xa3: {  	[timem:s9], [sflag:s23] =	dma.local [hbm:s7], s21  }
0xa4: {  	_ =	swait.ge [sflag:s23], s21  }
0xa5: {  	s6 =	ssub.s32 $0x0, s21;
	[sflag:s23] =	ssyncset.done $0x0  }
0xa6: {  	[sflag:s23] =	ssyncadd.s32 s6;
	_ =	sdelay $0x1  }
0xa7: {  	s24 =	simm.s32 $0x1B8B  }
0xa8: {  	_ =	swait.ge [sflag:s24], $0x1  }
0xa9: {  	[sflag:s24] =	ssyncset.done $0x0  }
0xaa: {  	s25 =	simm.s32 $0x1B8E;
	[sflag:s24] =	ssyncadd.s32 $0xFFFFFFFF  }
0xab: {  	s26 =	simm.s32 $execute0_lowered;
	[smem:$0x3FD2] =	sst s25  }
0xac: {  	s6 =	sshll.u32 s26, $0x1;
	_ =	strace $0x80000046;
	[dreg:$0x1] =	wrdreg $0xFFFFFFFF  }
0xad: {  	s28 =	simm.s32 $_size_execute0_lowered;
	s5 =	sadd.s32 s5, s6;
	[dreg:$0x0] =	wrdreg $0x0  }
0xae: {  	s6 =	sshll.u32 s28, $0x1;
	[dreg:$0x2] =	wrdreg s5  }
0xaf: {  	[dreg:$0x3] =	wrdreg s6  }
0xb0: {  	[dreg:$0x4] =	wrdreg $0xC0  }
0xb1: {  	_ =	task [dreg:s9], $0x5FFFF  }
0xb2: {  	[dreg:$0x1] =	wrdreg $0xFFFFFFFF  }
0xb3: {  	[dreg:$0x0] =	wrdreg $0x60  }
0xb4: {  	[dreg:$0x2] =	wrdreg s18  }
0xb5: {  	[dreg:$0x3] =	wrdreg s16  }
0xb6: {  	[dreg:$0x4] =	wrdreg s17  }
0xb7: {  	[dreg:$0x5] =	wrdreg $0x9  }
0xb8: {  	_ =	task.clear_ibuf [dreg:s9], $0x6FFFF;
	_ =	strace $0x90000046  }
0xb9: {  	s29 =	simm.s32 $0x9;
	_ =	strace $0x80000048  }
0xba: {  	_ =	swait.ge [sflag:s29], $0x1  }
0xbb: {  	[sflag:s29] =	ssyncadd.s32 $0xFFFFFFFF  }
0xbc: {  	_ =	strace $0x90000048  }
0xbd: {  	_ =	sfence  }
0xbe: {  	s30 =	sld [smem:$0x0];
	_ =	sdelay $0x2  }
0xbf: {  	s31 =	sshll.u32 s1, $0xD;
	s1 =	sshrl.u32 s1, $0x2  }
0xc0: {  	s3 =	sand.u32 $0x4000, s31;
	s1 =	sadd.s32 s1, s30  }
0xc1: {  	s0 =	sor.u32 s3, s0;
	s1 =	sshll.u32 s1, $0x11  }
0xc2: {  	s0 =	sor.u32 s1, s0  }
0xc3: {  	s0 =	sadd.s32 $0x8F2B, s0  }
0xc4: {  	[sflag:s0] =	ssyncadd.remote.s32 $0x1  }
0xc5: {  	_ =	sfence.sel $0xFFFF  }
0xc6: {  	[dreg:$0x0] =	wrdreg $0xFFFFFFFF;
	(pc) =	sbr.abs _section_cstart, $3  }
0xc7: {  	[dreg:$0x1] =	wrdreg $0xFFFFFFFF  }
0xc8: {  	_ =	task.clear_ibuf [dreg:s9], $0x2FFFF;
	_ =	strace $0x9FFFFFFF  }
0xc9: {  	(tm) =	ssettm $0x7FFFFFFF  }
tec
execute0_lowered:
.L_overlay_start_1:
0x0: {  	(tag) =	ssettag $0x1  }
0x1: {  	s1 =	stileid.u32  }
0x2: {  	p0 =	sgt.u32 s1, $0xC  }
.Ltmp0:
0x3: {  	s2 =	rddreg [dreg:$0x0];
	(pc) =	sbr.rel @p0 .LBB2_4-.Ltmp0, $4  }
0x4: {  	s4 =	rddreg [dreg:$0x1]  }
0x5: {  	s9 =	rddreg [dreg:$0x2];
	s3 =	simm.s32 $0x0  }
0x6: {  	[smem:$0x7FF] =	sst s3  }
0x7: {  	s0 =	rddreg [dreg:$0x3];
	_ =	strace $0x80000047  }
0x8: {  	s5 =	srdreg.scid  }
0x9: {  	s30 =	sshll.u32 s1, $0x1;
	s6 =	sand.u32 $0x1, s5  }
0xa: {  	s10 =	sor.u32 s6, s30  }
0xb: {  	s11 =	ssub.s32 $0x2, s6;
	s5 =	sadd.s32 s4, s10;
	s4 =	simm.s32 $0x2  }
0xc: {  	[tilespmem:s3], [sflag:$0x2] =	stream.linear.gather [hbm4b:s5+s3], $0x8, $0x38;
	[tilespmem:$0x480] =	vst v63  }
0xd: {  	s7 =	simm.s32 $0x80;
	s12 =	sshrl.u32 s11, $0x1;
	_ =	swait.ge [sflag:s4], $0x8  }
0xe: {  	s8 =	simm.s32 $0x1;
	s11 =	ssub.s32 s11, s12;
	[sflag:s4] =	ssyncset.done $0x0  }
0xf: {  	s6 =	simm.s32 $0x8;
	s31 =	smax.u32 s11, $0x1;
	[sflag:s4] =	ssyncadd.s32 $0xFFFFFFF8  }
0x10: {  	[tilespmem:s7], [sflag:$0x1] =	stream.indirect.gather [hbm4b:s2+s6], $0x80, s3, s6, $0xb8;
	[tilespmem:$0x480] =	vst v63  }
0x11: {  	p0 =	sne.s32 s31, $0x1;
	_ =	swait.ge [sflag:s8], $0x400  }
.Ltmp1:
0x12: {  	s10 =	sshll.u32 s10, $0x7;
	[sflag:s8] =	ssyncset.done $0x0;
	(pc) =	sbr.rel @!p0 .LBB2_3-.Ltmp1, $4  }
0x13: {  	s9 =	sadd.s32 s9, s10;
	[sflag:s8] =	ssyncadd.s32 $0xFFFFFC00  }
0x14: {  	[hbm4b:s9+s3] =	stream.linear.scatter [tilespmem:s7], [sflag:$0x2], $0x400, $0x38;
	[tilespmem:$0x480] =	vst v63  }
0x15: {  	_ =	swait.ge [sflag:s4], $0x400  }
0x16: {  	s10 =	sadd.s32 $0xFFFFFFFF, s31;
	[sflag:s4] =	ssyncset.done $0x0  }
.LBB2_2:
0x17: {  	p0 =	sne.s32 s10, $0x1;
	s10 =	sadd.s32 $0xFFFFFFFF, s10;
	[sflag:s4] =	ssyncadd.s32 $0xFFFFFC00  }
0x18: {  	[tilespmem:s3], [sflag:$0x2] =	stream.linear.gather [hbm4b:s5+s3], $0x8, $0x38;
	[tilespmem:$0x480] =	vst v63  }
0x19: {  	_ =	swait.ge [sflag:s4], $0x8  }
0x1a: {  	[sflag:s4] =	ssyncset.done $0x0  }
0x1b: {  	[sflag:s4] =	ssyncadd.s32 $0xFFFFFFF8  }
0x1c: {  	[tilespmem:s7], [sflag:$0x1] =	stream.indirect.gather [hbm4b:s2+s6], $0x80, s3, s6, $0xb8;
	[tilespmem:$0x480] =	vst v63  }
0x1d: {  	_ =	swait.ge [sflag:s8], $0x400  }
.Ltmp2:
0x1e: {  	[sflag:s8] =	ssyncset.done $0x0;
	(pc) =	sbr.rel @p0 .LBB2_2-.Ltmp2, $4  }
0x1f: {  	[sflag:s8] =	ssyncadd.s32 $0xFFFFFC00  }
0x20: {  	[hbm4b:s9+s3] =	stream.linear.scatter [tilespmem:s7], [sflag:$0x2], $0x400, $0x38;
	[tilespmem:$0x480] =	vst v63  }
0x21: {  	_ =	swait.ge [sflag:s4], $0x400  }
0x22: {  	[sflag:s4] =	ssyncset.done $0x0  }
.LBB2_3:
0x23: {  	[sflag:s4] =	ssyncadd.s32 $0xFFFFFC00  }
.LBB2_4:
0x24: {  	_ =	sfence.sel $0x180000  }
0x25: {  	[bflag:$0x0] =	sbarrier.arrive $0xFFFF  }
0x26: {  	p0 =	sne.s32 s1, $0x0;
	_ =	strace $0x90000047  }
0x27: {  	s0 =	sadd.s32 @!p0 $0x100000, s0;
	[bflag:$0x2] =	sbarrier.arrive $0xFFFF  }
0x28: {  	[sflag:s0] =	ssyncadd.tile.s32 @!p0 $0x1;
	_ =	shalt  }
.Lfunc_end2:
_tile_overlayer_lowered:
.L_overlay_start_2:
0x29: {  	(tag) =	ssettag $0x2  }
0x2a: {  	s0 =	rddreg [dreg:$0x0];
	s2 =	stileid.u32  }
0x2b: {  	s1 =	rddreg [dreg:$0x1];
	p0 =	sne.s32 s2, $0x0  }
0x2c: {  	s3 =	rddreg [dreg:$0x2];
	[bflag:$0x3] =	sbarrier.arrive $0xFFFF;
	s2 =	simm.s32 @!p0 $0x1C02  }
0x2d: {  	[timem:s3], [sflag:s2] =	dma.local @!p0 [hbm:s0], s1  }
0x2e: {  	s0 =	simm.s32 @!p0 $0x2  }
0x2f: {  	_ =	swait.ge @!p0 [sflag:s0], s1  }
0x30: {  	s1 =	ssub.s32 @!p0 $0x0, s1;
	[sflag:s0] =	ssyncset.done @!p0 $0x0  }
0x31: {  	[sflag:s0] =	ssyncadd.s32 @!p0 s1  }
0x32: {  	[bflag:$0x3] =	sbarrier.arrive $0xFFFF  }
0x33: {  	_ =	shalt  }

</sc_bundles>
